<compile_context>
chip_gen: v7x
topology: tpu7x:2x2x1
jax: 0.10.2.dev20260603
libtpu: 0.0.44.dev20260713+nightly
codegen_flags: <defaults>
</compile_context>

<pallas_src>
import functools

import jax
import jax.numpy as jnp
from jax import lax
from jax.experimental import pallas as pl
from jax.experimental.pallas import tpu as pltpu
from jax.experimental.pallas import tpu_sc as plsc

ROWS = 8192
COLS = 4096
HALF = ROWS // 2
NWORKERS = 32
SHARD = HALF // NWORKERS
CHUNK_R = 16
NCHUNKS = SHARD // CHUNK_R


def _tc_copy(x_ref, o_ref):
    o_ref[...] = x_ref[...]


def _sc_copy(x_hbm, out_hbm, buf0, buf1, sem_in0, sem_in1, sem_out0,
             sem_out1):
    wid = lax.axis_index("s") * 2 + lax.axis_index("c")
    rbase = HALF + wid * SHARD
    base = wid * SHARD

    bufs = (buf0, buf1)
    sems_in = (sem_in0, sem_in1)
    sems_out = (sem_out0, sem_out1)

    pltpu.async_copy(x_hbm.at[pl.ds(rbase, CHUNK_R)], bufs[0], sems_in[0])

    def body(j, carry):
        del carry
        for b in range(2):
            @pl.when(lax.rem(j, 2) == b)
            def _():
                @pl.when(j + 1 < NCHUNKS)
                def _():
                    pltpu.async_copy(
                        x_hbm.at[pl.ds(rbase + (j + 1) * CHUNK_R, CHUNK_R)],
                        bufs[1 - b], sems_in[1 - b])
                pltpu.make_async_copy(
                    x_hbm.at[pl.ds(rbase + j * CHUNK_R, CHUNK_R)],
                    bufs[b], sems_in[b]).wait()
                @pl.when(j >= 2)
                def _():
                    pltpu.make_async_copy(
                        bufs[b],
                        out_hbm.at[pl.ds(base + (j - 2) * CHUNK_R, CHUNK_R)],
                        sems_out[b]).wait()
                pltpu.async_copy(
                    bufs[b],
                    out_hbm.at[pl.ds(base + j * CHUNK_R, CHUNK_R)],
                    sems_out[b])
        return 0

    lax.fori_loop(0, NCHUNKS, body, 0)

    for b in range(2):
        j = NCHUNKS - 2 + b
        pltpu.make_async_copy(
            bufs[j % 2],
            out_hbm.at[pl.ds(base + j * CHUNK_R, CHUNK_R)],
            sems_out[j % 2]).wait()


@jax.jit
def kernel(x):
    top = pl.pallas_call(
        _tc_copy,
        grid=(8,),
        in_specs=[pl.BlockSpec((HALF // 8, COLS), lambda i: (i, 0))],
        out_specs=pl.BlockSpec((HALF // 8, COLS), lambda i: (i, 0)),
        out_shape=jax.ShapeDtypeStruct((HALF, COLS), jnp.float32),
    )(x)

    mesh = plsc.VectorSubcoreMesh(core_axis_name="c", subcore_axis_name="s")
    k = functools.partial(
        pl.kernel,
        mesh=mesh,
        out_type=jax.ShapeDtypeStruct((HALF, COLS), jnp.float32),
        scratch_types=[
            pltpu.VMEM((CHUNK_R, COLS), jnp.float32),
            pltpu.VMEM((CHUNK_R, COLS), jnp.float32),
            pltpu.SemaphoreType.DMA,
            pltpu.SemaphoreType.DMA,
            pltpu.SemaphoreType.DMA,
            pltpu.SemaphoreType.DMA,
        ],
    )(_sc_copy)
    bottom = k(x)
    return (top, bottom)

# --- scband reference (transcript-rebuilt; emitter-appended) ---
"""Pipeline reference for scband-model-new-23656679867007 (READ-ONLY COPY).

The authoritative reference and input builder live on the scoring server;
editing this copy changes nothing except your own understanding.
"""

import jax, jax.numpy as jnp
import numpy as np


def setup_inputs(seed: int = 0) -> dict:
    key = jax.random.key(seed)
    x = jax.random.normal(key, (8192, 4096), dtype=jnp.float32)
    return {"x": x}


def reference(x):
    # Faithful translation of the CUDA kernel's actual behavior.
    # For dim == 1 the CUB kernel performs a single flat InclusiveSum over
    # the entire rows*cols buffer (NOT a per-row cumsum), relying on
    # row-major contiguity. We reproduce that exact math.
    dim = 1
    if dim == 1:
        flat = jnp.cumsum(x.reshape(-1))
        return flat.reshape(x.shape)
    else:
        # dim == 0 path: transpose -> flat scan -> transpose back
        t = x.T
        flat = jnp.cumsum(t.reshape(-1))
        return flat.reshape(t.shape).T

if __name__ == "__main__":
    import jax
    _d = setup_inputs()
    print(jax.jit(kernel)(*tuple(_d.values())))

</pallas_src>

<mosaic_0001>
#map = affine_map<(d0, d1) -> (0, 0)>
module attributes {stable_mosaic.version = 14 : i64} {
  func.func @_sc_copy(%arg0: i32, %arg1: i32, %arg2: memref<8192x4096xf32, #tpu.memory_space<hbm>>, %arg3: memref<4096x4096xf32, #tpu.memory_space<hbm>>, %arg4: memref<16x4096xf32, #tpu.memory_space<vmem>>, %arg5: memref<16x4096xf32, #tpu.memory_space<vmem>>, %arg6: memref<!tpu.dma_semaphore, #tpu.memory_space<semaphore_mem>>, %arg7: memref<!tpu.dma_semaphore, #tpu.memory_space<semaphore_mem>>, %arg8: memref<!tpu.dma_semaphore, #tpu.memory_space<semaphore_mem>>, %arg9: memref<!tpu.dma_semaphore, #tpu.memory_space<semaphore_mem>>) attributes {dimension_semantics = [#tpu.dimension_semantics<core_parallel>, #tpu.dimension_semantics<subcore_parallel>], iteration_bounds = array<i64: 2, 16>, scalar_prefetch = 0 : i64, scratch_operands = 6 : i64, tpu.core_type = #tpu.core_type<sc_vector_subcore>, window_params = [{transform_indices = #map}, {transform_indices = #map}]} {
    %mul3A = arith.constant 2 : i32
    %mul3A_0 = arith.muli %arg1, %mul3A : i32
    %add3A = arith.addi %mul3A_0, %arg0 : i32
    %mul3A_1 = arith.constant 128 : i32
    %mul3A_2 = arith.muli %add3A, %mul3A_1 : i32
    %add3A_3 = arith.constant 4096 : i32
    %add3A_4 = arith.addi %add3A_3, %mul3A_2 : i32
    %mul3A_5 = arith.constant 128 : i32
    %mul3A_6 = arith.muli %add3A, %mul3A_5 : i32
    %dma_start3A = arith.constant 0 : i32
    %dma_start3A_7 = tpu.memref_slice %arg2[%add3A_4, %dma_start3A] : memref<8192x4096xf32, #tpu.memory_space<hbm>> -> memref<16x4096xf32, #tpu.memory_space<hbm>>
    %dma_start3A_8 = arith.constant 0 : i32
    %dma_start3A_9 = tpu.memref_slice %arg2[%add3A_4, %dma_start3A_8] : memref<8192x4096xf32, #tpu.memory_space<hbm>> -> memref<16x4096xf32, #tpu.memory_space<hbm>>
    tpu.enqueue_dma source(%dma_start3A_9 : memref<16x4096xf32, #tpu.memory_space<hbm>>) target(%arg4 : memref<16x4096xf32, #tpu.memory_space<vmem>>) target_semaphore(%arg6 : memref<!tpu.dma_semaphore, #tpu.memory_space<semaphore_mem>>)
    %scan3A = arith.constant 0 : i32
    %scan3A_10 = arith.constant 0 : i32
    %scan3A_11 = arith.constant 8 : i32
    %scan3A_12 = arith.addi %scan3A_10, %scan3A_11 : i32
    %scan3A_13 = arith.constant 1 : i32
    %scan3A_14 = scf.for %scan3A_27 = %scan3A_10 to %scan3A_12 step %scan3A_13 iter_args(%scan3A_28 = %scan3A) -> (i32)  : i32 {
      %rem3A = arith.constant 2 : i32
      %rem3A_29 = arith.remsi %scan3A_27, %rem3A : i32
      %eq3A = arith.constant 0 : i32
      %eq3A_30 = arith.cmpi eq, %rem3A_29, %eq3A : i32
      %convert_element_type3A = arith.extui %eq3A_30 : i1 to i32
      %cond3A = arith.constant 0 : i32
      %cond3A_31 = arith.cmpi ne, %convert_element_type3A, %cond3A : i32
      scf.if %cond3A_31 {
        %add3A_40 = arith.constant 1 : i32
        %add3A_41 = arith.addi %scan3A_27, %add3A_40 : i32
        %lt3A = arith.constant 8 : i32
        %lt3A_42 = arith.cmpi slt, %add3A_41, %lt3A : i32
        %convert_element_type3A_43 = arith.extui %lt3A_42 : i1 to i32
        %cond3A_44 = arith.constant 0 : i32
        %cond3A_45 = arith.cmpi ne, %convert_element_type3A_43, %cond3A_44 : i32
        scf.if %cond3A_45 {
          %add3A_64 = arith.constant 1 : i32
          %add3A_65 = arith.addi %scan3A_27, %add3A_64 : i32
          %mul3A_66 = arith.constant 16 : i32
          %mul3A_67 = arith.muli %add3A_65, %mul3A_66 : i32
          %add3A_68 = arith.addi %add3A_4, %mul3A_67 : i32
          %dma_start3A_69 = arith.constant 0 : i32
          %dma_start3A_70 = tpu.memref_slice %arg2[%add3A_68, %dma_start3A_69] : memref<8192x4096xf32, #tpu.memory_space<hbm>> -> memref<16x4096xf32, #tpu.memory_space<hbm>>
          %dma_start3A_71 = arith.constant 0 : i32
          %dma_start3A_72 = tpu.memref_slice %arg2[%add3A_68, %dma_start3A_71] : memref<8192x4096xf32, #tpu.memory_space<hbm>> -> memref<16x4096xf32, #tpu.memory_space<hbm>>
          tpu.enqueue_dma source(%dma_start3A_72 : memref<16x4096xf32, #tpu.memory_space<hbm>>) target(%arg5 : memref<16x4096xf32, #tpu.memory_space<vmem>>) target_semaphore(%arg7 : memref<!tpu.dma_semaphore, #tpu.memory_space<semaphore_mem>>)
        } else {
        }
        %mul3A_46 = arith.constant 16 : i32
        %mul3A_47 = arith.muli %scan3A_27, %mul3A_46 : i32
        %add3A_48 = arith.addi %add3A_4, %mul3A_47 : i32
        %dma_wait3A_49 = arith.constant 0 : i32
        %dma_wait3A_50 = tpu.memref_slice %arg2[%add3A_48, %dma_wait3A_49] : memref<8192x4096xf32, #tpu.memory_space<hbm>> -> memref<16x4096xf32, #tpu.memory_space<hbm>>
        %dma_wait3A_51 = arith.constant 0 : i32
        %dma_wait3A_52 = tpu.memref_slice %arg2[%add3A_48, %dma_wait3A_51] : memref<8192x4096xf32, #tpu.memory_space<hbm>> -> memref<16x4096xf32, #tpu.memory_space<hbm>>
        tpu.wait_dma2 semaphore(%arg6 : memref<!tpu.dma_semaphore, #tpu.memory_space<semaphore_mem>>) src(%dma_wait3A_52 : memref<16x4096xf32, #tpu.memory_space<hbm>>) dst(%arg4 : memref<16x4096xf32, #tpu.memory_space<vmem>>)
        %ge3A = arith.constant 2 : i32
        %ge3A_53 = arith.cmpi sge, %scan3A_27, %ge3A : i32
        %convert_element_type3A_54 = arith.extui %ge3A_53 : i1 to i32
        %cond3A_55 = arith.constant 0 : i32
        %cond3A_56 = arith.cmpi ne, %convert_element_type3A_54, %cond3A_55 : i32
        scf.if %cond3A_56 {
          %sub3A = arith.constant 2 : i32
          %sub3A_64 = arith.subi %scan3A_27, %sub3A : i32
          %mul3A_65 = arith.constant 16 : i32
          %mul3A_66 = arith.muli %sub3A_64, %mul3A_65 : i32
          %add3A_67 = arith.addi %mul3A_6, %mul3A_66 : i32
          %dma_wait3A_68 = arith.constant 0 : i32
          %dma_wait3A_69 = tpu.memref_slice %arg3[%add3A_67, %dma_wait3A_68] : memref<4096x4096xf32, #tpu.memory_space<hbm>> -> memref<16x4096xf32, #tpu.memory_space<hbm>>
          %dma_wait3A_70 = arith.constant 0 : i32
          %dma_wait3A_71 = tpu.memref_slice %arg3[%add3A_67, %dma_wait3A_70] : memref<4096x4096xf32, #tpu.memory_space<hbm>> -> memref<16x4096xf32, #tpu.memory_space<hbm>>
          tpu.wait_dma2 semaphore(%arg8 : memref<!tpu.dma_semaphore, #tpu.memory_space<semaphore_mem>>) src(%arg4 : memref<16x4096xf32, #tpu.memory_space<vmem>>) dst(%dma_wait3A_71 : memref<16x4096xf32, #tpu.memory_space<hbm>>)
        } else {
        }
        %mul3A_57 = arith.constant 16 : i32
        %mul3A_58 = arith.muli %scan3A_27, %mul3A_57 : i32
        %add3A_59 = arith.addi %mul3A_6, %mul3A_58 : i32
        %dma_start3A_60 = arith.constant 0 : i32
        %dma_start3A_61 = tpu.memref_slice %arg3[%add3A_59, %dma_start3A_60] : memref<4096x4096xf32, #tpu.memory_space<hbm>> -> memref<16x4096xf32, #tpu.memory_space<hbm>>
        %dma_start3A_62 = arith.constant 0 : i32
        %dma_start3A_63 = tpu.memref_slice %arg3[%add3A_59, %dma_start3A_62] : memref<4096x4096xf32, #tpu.memory_space<hbm>> -> memref<16x4096xf32, #tpu.memory_space<hbm>>
        tpu.enqueue_dma source(%arg4 : memref<16x4096xf32, #tpu.memory_space<vmem>>) target(%dma_start3A_63 : memref<16x4096xf32, #tpu.memory_space<hbm>>) target_semaphore(%arg8 : memref<!tpu.dma_semaphore, #tpu.memory_space<semaphore_mem>>)
      } else {
      }
      %rem3A_32 = arith.constant 2 : i32
      %rem3A_33 = arith.remsi %scan3A_27, %rem3A_32 : i32
      %eq3A_34 = arith.constant 1 : i32
      %eq3A_35 = arith.cmpi eq, %rem3A_33, %eq3A_34 : i32
      %convert_element_type3A_36 = arith.extui %eq3A_35 : i1 to i32
      %cond3A_37 = arith.constant 0 : i32
      %cond3A_38 = arith.cmpi ne, %convert_element_type3A_36, %cond3A_37 : i32
      scf.if %cond3A_38 {
        %add3A_40 = arith.constant 1 : i32
        %add3A_41 = arith.addi %scan3A_27, %add3A_40 : i32
        %lt3A = arith.constant 8 : i32
        %lt3A_42 = arith.cmpi slt, %add3A_41, %lt3A : i32
        %convert_element_type3A_43 = arith.extui %lt3A_42 : i1 to i32
        %cond3A_44 = arith.constant 0 : i32
        %cond3A_45 = arith.cmpi ne, %convert_element_type3A_43, %cond3A_44 : i32
        scf.if %cond3A_45 {
          %add3A_64 = arith.constant 1 : i32
          %add3A_65 = arith.addi %scan3A_27, %add3A_64 : i32
          %mul3A_66 = arith.constant 16 : i32
          %mul3A_67 = arith.muli %add3A_65, %mul3A_66 : i32
          %add3A_68 = arith.addi %add3A_4, %mul3A_67 : i32
          %dma_start3A_69 = arith.constant 0 : i32
          %dma_start3A_70 = tpu.memref_slice %arg2[%add3A_68, %dma_start3A_69] : memref<8192x4096xf32, #tpu.memory_space<hbm>> -> memref<16x4096xf32, #tpu.memory_space<hbm>>
          %dma_start3A_71 = arith.constant 0 : i32
          %dma_start3A_72 = tpu.memref_slice %arg2[%add3A_68, %dma_start3A_71] : memref<8192x4096xf32, #tpu.memory_space<hbm>> -> memref<16x4096xf32, #tpu.memory_space<hbm>>
          tpu.enqueue_dma source(%dma_start3A_72 : memref<16x4096xf32, #tpu.memory_space<hbm>>) target(%arg4 : memref<16x4096xf32, #tpu.memory_space<vmem>>) target_semaphore(%arg6 : memref<!tpu.dma_semaphore, #tpu.memory_space<semaphore_mem>>)
        } else {
        }
        %mul3A_46 = arith.constant 16 : i32
        %mul3A_47 = arith.muli %scan3A_27, %mul3A_46 : i32
        %add3A_48 = arith.addi %add3A_4, %mul3A_47 : i32
        %dma_wait3A_49 = arith.constant 0 : i32
        %dma_wait3A_50 = tpu.memref_slice %arg2[%add3A_48, %dma_wait3A_49] : memref<8192x4096xf32, #tpu.memory_space<hbm>> -> memref<16x4096xf32, #tpu.memory_space<hbm>>
        %dma_wait3A_51 = arith.constant 0 : i32
        %dma_wait3A_52 = tpu.memref_slice %arg2[%add3A_48, %dma_wait3A_51] : memref<8192x4096xf32, #tpu.memory_space<hbm>> -> memref<16x4096xf32, #tpu.memory_space<hbm>>
        tpu.wait_dma2 semaphore(%arg7 : memref<!tpu.dma_semaphore, #tpu.memory_space<semaphore_mem>>) src(%dma_wait3A_52 : memref<16x4096xf32, #tpu.memory_space<hbm>>) dst(%arg5 : memref<16x4096xf32, #tpu.memory_space<vmem>>)
        %ge3A = arith.constant 2 : i32
        %ge3A_53 = arith.cmpi sge, %scan3A_27, %ge3A : i32
        %convert_element_type3A_54 = arith.extui %ge3A_53 : i1 to i32
        %cond3A_55 = arith.constant 0 : i32
        %cond3A_56 = arith.cmpi ne, %convert_element_type3A_54, %cond3A_55 : i32
        scf.if %cond3A_56 {
          %sub3A = arith.constant 2 : i32
          %sub3A_64 = arith.subi %scan3A_27, %sub3A : i32
          %mul3A_65 = arith.constant 16 : i32
          %mul3A_66 = arith.muli %sub3A_64, %mul3A_65 : i32
          %add3A_67 = arith.addi %mul3A_6, %mul3A_66 : i32
          %dma_wait3A_68 = arith.constant 0 : i32
          %dma_wait3A_69 = tpu.memref_slice %arg3[%add3A_67, %dma_wait3A_68] : memref<4096x4096xf32, #tpu.memory_space<hbm>> -> memref<16x4096xf32, #tpu.memory_space<hbm>>
          %dma_wait3A_70 = arith.constant 0 : i32
          %dma_wait3A_71 = tpu.memref_slice %arg3[%add3A_67, %dma_wait3A_70] : memref<4096x4096xf32, #tpu.memory_space<hbm>> -> memref<16x4096xf32, #tpu.memory_space<hbm>>
          tpu.wait_dma2 semaphore(%arg9 : memref<!tpu.dma_semaphore, #tpu.memory_space<semaphore_mem>>) src(%arg5 : memref<16x4096xf32, #tpu.memory_space<vmem>>) dst(%dma_wait3A_71 : memref<16x4096xf32, #tpu.memory_space<hbm>>)
        } else {
        }
        %mul3A_57 = arith.constant 16 : i32
        %mul3A_58 = arith.muli %scan3A_27, %mul3A_57 : i32
        %add3A_59 = arith.addi %mul3A_6, %mul3A_58 : i32
        %dma_start3A_60 = arith.constant 0 : i32
        %dma_start3A_61 = tpu.memref_slice %arg3[%add3A_59, %dma_start3A_60] : memref<4096x4096xf32, #tpu.memory_space<hbm>> -> memref<16x4096xf32, #tpu.memory_space<hbm>>
        %dma_start3A_62 = arith.constant 0 : i32
        %dma_start3A_63 = tpu.memref_slice %arg3[%add3A_59, %dma_start3A_62] : memref<4096x4096xf32, #tpu.memory_space<hbm>> -> memref<16x4096xf32, #tpu.memory_space<hbm>>
        tpu.enqueue_dma source(%arg5 : memref<16x4096xf32, #tpu.memory_space<vmem>>) target(%dma_start3A_63 : memref<16x4096xf32, #tpu.memory_space<hbm>>) target_semaphore(%arg9 : memref<!tpu.dma_semaphore, #tpu.memory_space<semaphore_mem>>)
      } else {
      }
      %scan3A_39 = arith.constant 0 : i32
      scf.yield %scan3A_39 : i32
    }
    %scan3A_15 = arith.constant 8 : i32
    %add3A_16 = arith.constant 96 : i32
    %add3A_17 = arith.addi %mul3A_6, %add3A_16 : i32
    %dma_wait3A = arith.constant 0 : i32
    %dma_wait3A_18 = tpu.memref_slice %arg3[%add3A_17, %dma_wait3A] : memref<4096x4096xf32, #tpu.memory_space<hbm>> -> memref<16x4096xf32, #tpu.memory_space<hbm>>
    %dma_wait3A_19 = arith.constant 0 : i32
    %dma_wait3A_20 = tpu.memref_slice %arg3[%add3A_17, %dma_wait3A_19] : memref<4096x4096xf32, #tpu.memory_space<hbm>> -> memref<16x4096xf32, #tpu.memory_space<hbm>>
    tpu.wait_dma2 semaphore(%arg8 : memref<!tpu.dma_semaphore, #tpu.memory_space<semaphore_mem>>) src(%arg4 : memref<16x4096xf32, #tpu.memory_space<vmem>>) dst(%dma_wait3A_20 : memref<16x4096xf32, #tpu.memory_space<hbm>>)
    %add3A_21 = arith.constant 112 : i32
    %add3A_22 = arith.addi %mul3A_6, %add3A_21 : i32
    %dma_wait3A_23 = arith.constant 0 : i32
    %dma_wait3A_24 = tpu.memref_slice %arg3[%add3A_22, %dma_wait3A_23] : memref<4096x4096xf32, #tpu.memory_space<hbm>> -> memref<16x4096xf32, #tpu.memory_space<hbm>>
    %dma_wait3A_25 = arith.constant 0 : i32
    %dma_wait3A_26 = tpu.memref_slice %arg3[%add3A_22, %dma_wait3A_25] : memref<4096x4096xf32, #tpu.memory_space<hbm>> -> memref<16x4096xf32, #tpu.memory_space<hbm>>
    tpu.wait_dma2 semaphore(%arg9 : memref<!tpu.dma_semaphore, #tpu.memory_space<semaphore_mem>>) src(%arg5 : memref<16x4096xf32, #tpu.memory_space<vmem>>) dst(%dma_wait3A_26 : memref<16x4096xf32, #tpu.memory_space<hbm>>)
    return
  }
}

module attributes {stable_mosaic.version = 14 : i64} {
  func.func @_tc_copy(%arg0: i32, %arg1: memref<512x4096xf32, #tpu.memory_space<vmem>>, %arg2: memref<512x4096xf32, #tpu.memory_space<vmem>>) attributes {dimension_semantics = [#tpu.dimension_semantics<arbitrary>], iteration_bounds = array<i64: 8>, scalar_prefetch = 0 : i64, scratch_operands = 0 : i64, tpu.core_type = #tpu.core_type<tc>, window_params = [{transform_indices = @transform_0, window_bounds = array<i64: 512, 4096>}, {transform_indices = @transform_1, window_bounds = array<i64: 512, 4096>}]} {
    %get3A = arith.constant 0 : index
    %get3A_0 = arith.constant 0 : index
    %get3A_1 = vector.load %arg1[%get3A, %get3A_0] : memref<512x4096xf32, #tpu.memory_space<vmem>>, vector<512x4096xf32>
    %swap3A = arith.constant 0 : index
    %swap3A_2 = arith.constant 0 : index
    %swap3A_3 = vector.load %arg2[%swap3A, %swap3A_2] : memref<512x4096xf32, #tpu.memory_space<vmem>>, vector<512x4096xf32>
    tpu.vector_store %arg2[%swap3A, %swap3A_2], %get3A_1 {strides = array<i32>} : memref<512x4096xf32, #tpu.memory_space<vmem>>, vector<512x4096xf32>,
    return
  }
  func.func @transform_0(%arg0: i32) -> (i32, i32) {
    %c0_i32 = arith.constant 0 : i32
    %c0_i32_0 = arith.constant 0 : i32
    return %arg0, %c0_i32 : i32, i32
  }
  func.func @transform_1(%arg0: i32) -> (i32, i32) {
    %c0_i32 = arith.constant 0 : i32
    %c0_i32_0 = arith.constant 0 : i32
    return %arg0, %c0_i32 : i32, i32
  }
}

</mosaic_0001>

<sc_bundles>
// kernel: kernel.4.cloned.1.call-start
scs
__scs_entry_jumppad:
0x0: {  	(pc) =	sbr.rel $0x88, $3  }
0x1: {  	(tag) =	ssettag $0x0;
	lr =	simm.s32 $0x1  }
0x2: {  	[smem:$0x3FA0] =	sst lr;
	_ =	strace $0xD0000000  }
0x3: {  	_ = 	snop  }
0x4: {  	_ = 	snop  }
0x5: {  	_ = 	snop  }
0x6: {  	_ = 	snop  }
0x7: {  	_ = 	snop  }
__scs_overlays_trampoline_lowered:
0x8: {  	[smem:$0x3FAF] =	sst s0  }
0x9: {  	[smem:$0x3FB0] =	sst s1  }
0xa: {  	[smem:$0x3FB1] =	sst s2  }
0xb: {  	[smem:$0x3FB2] =	sst s3  }
0xc: {  	[smem:$0x3FB3] =	sst s4  }
0xd: {  	[smem:$0x3FB4] =	sst s5  }
0xe: {  	[smem:$0x3FB5] =	sst s6  }
0xf: {  	[smem:$0x3FB6] =	sst s7  }
0x10: {  	[smem:$0x3FB7] =	sst s8  }
0x11: {  	[smem:$0x3FB8] =	sst s9;
	s0 =	simm.s32 @!p0 $0x0  }
0x12: {  	s1 =	sld [smem:$0x3F9E];
	s0 =	simm.s32 @p0 $0x1  }
0x13: {  	[smem:$0x3FB9] =	sst s0;
	s0 =	simm.s32 @!p1 $0x0  }
0x14: {  	s2 =	sld [smem:$0x3F9D];
	s0 =	simm.s32 @p1 $0x1  }
0x15: {  	[smem:$0x3FBA] =	sst s0;
	s0 =	simm.s32 @!p2 $0x0  }
0x16: {  	s3 =	sld [smem:$0x3FDB];
	s0 =	simm.s32 @p2 $0x1  }
0x17: {  	s4 =	simm.s32 $0x1BF5;
	[smem:$0x3FBC] =	sst s0  }
0x18: {  	s0 =	sld [smem:$0x3F9F];
	_ =	swait.ge [sflag:s4], $0x0  }
0x19: {  	s7 =	sld [smem:$0x3FA0]  }
0x1a: {  	s8 =	sadd.s32 $0xFFFFE003, lr  }
0x1b: {  	s9 =	sadd.s32 $0xFFFFFEF7, lr;
	s5 =	simm.s32 $0xFFFFFFFF;
	p2 =	slt.u32 s8, $0xFFFFF086  }
0x1c: {  	p1 =	slt.u32 s9, $0xF7A;
	s5 =	simm.s32 @!p2 $0x0  }
0x1d: {  	s5 =	simm.s32 @p1 $0x1;
	p0 =	seq.s32 s7, s2  }
0x1e: {  	s7 =	smul.u32 @!p0 $0xF7A, s2;
	p2 =	seq.s32 @!p0 s5, $0x0  }
0x1f: {  	s9 =	smul.u32 $0xF7A, s1;
	s8 =	simm.s32 @!p0 $0x1BF5;
	p2 =	por !p2, p0  }
0x20: {  	[sflag:s8] =	ssyncset.s32 @!p0 $0xFFFFF086;
	s6 =	sadd.s32 @!p0 s3, s7;
	s7 =	simm.s32 @!p0 $0x108  }
0x21: {  	s3 =	sadd.s32 s3, s9;
	s6 =	sadd.s32 @!p0 $0x88, s6;
	s7 =	simm.s32 @p2 $0x1082  }
0x22: {  	[simem:s7], [sflag:s8] =	dma.local @!p0 [hbm:s6], $0xF7A  }
0x23: {  	s9 =	sor.u32 $0xD0000000, s2;
	s6 =	simm.s32 $0x108;
	_ =	swait.ge @!p0 [sflag:s8], $0x0  }
0x24: {  	s3 =	sadd.s32 $0x88, s3;
	s6 =	simm.s32 @!p1 $0x1082;
	[sflag:s4] =	ssyncset.s32 $0xFFFFF086  }
0x25: {  	[simem:s6], [sflag:s4] =	dma.local [hbm:s3], $0xF7A  }
0x26: {  	[smem:$0x3FA0] =	sst s1;
	(tag) =	ssettag s2;
	_ =	strace s9  }
0x27: {  	s1 =	sld [smem:$0x3FB0]  }
0x28: {  	s2 =	sld [smem:$0x3FB1]  }
0x29: {  	s4 =	sld [smem:$0x3FB3]  }
0x2a: {  	p0 =	seq.s32 s5, $0x0;
	s5 =	sld [smem:$0x3FB4]  }
0x2b: {  	s6 =	sld [smem:$0x3FB5]  }
0x2c: {  	s7 =	sld [smem:$0x3FB6]  }
0x2d: {  	s3 =	simm.s32 $0x108;
	s8 =	sld [smem:$0x3FB7]  }
0x2e: {  	s3 =	simm.s32 @!p0 $0x1082;
	s9 =	sld [smem:$0x3FB8]  }
0x2f: {  	lr =	sadd.s32 s0, s3;
	s0 =	sld [smem:$0x3FAF]  }
0x30: {  	s3 =	sld [smem:$0x3FB2]  }
0x31: {  	[smem:$0x3FBB] =	sst s10  }
0x32: {  	s10 =	sld [smem:$0x3FB9];
	_ =	sdelay $0x3  }
0x33: {  	p0 =	seq.s32 s10, $0x1;
	s10 =	sld [smem:$0x3FBB];
	_ =	sdelay $0x3  }
0x34: {  	[smem:$0x3FBB] =	sst s10  }
0x35: {  	s10 =	sld [smem:$0x3FBA];
	_ =	sdelay $0x3  }
0x36: {  	p1 =	seq.s32 s10, $0x1;
	s10 =	sld [smem:$0x3FBB];
	_ =	sdelay $0x3  }
0x37: {  	[smem:$0x3FBB] =	sst s10  }
0x38: {  	s10 =	sld [smem:$0x3FBC]  }
0x39: {  	_ = 	snop;
	(pc) =	sbr.ind lr, $3  }
0x3a: {  	_ = 	snop  }
0x3b: {  	_ = 	snop  }
0x3c: {  	p2 =	seq.s32 s10, $0x1;
	s10 =	sld [smem:$0x3FBB]  }
0x3d: {  	_ =	shalt  }
0x3e: {  	_ =	shalt  }
0x3f: {  	_ =	shalt  }
0x40: {  	_ =	shalt  }
0x41: {  	_ =	shalt  }
0x42: {  	_ =	shalt  }
0x43: {  	_ =	shalt  }
0x44: {  	_ =	shalt  }
0x45: {  	_ =	shalt  }
0x46: {  	_ =	shalt  }
0x47: {  	_ =	shalt  }
0x48: {  	_ =	shalt  }
0x49: {  	_ =	shalt  }
0x4a: {  	_ =	shalt  }
0x4b: {  	_ =	shalt  }
0x4c: {  	_ =	shalt  }
0x4d: {  	_ =	shalt  }
0x4e: {  	_ =	shalt  }
0x4f: {  	_ =	shalt  }
0x50: {  	_ =	shalt  }
0x51: {  	_ =	shalt  }
0x52: {  	_ =	shalt  }
0x53: {  	_ =	shalt  }
0x54: {  	_ =	shalt  }
0x55: {  	_ =	shalt  }
0x56: {  	_ =	shalt  }
0x57: {  	_ =	shalt  }
0x58: {  	_ =	shalt  }
0x59: {  	_ =	shalt  }
0x5a: {  	_ =	shalt  }
0x5b: {  	_ =	shalt  }
0x5c: {  	_ =	shalt  }
0x5d: {  	_ =	shalt  }
0x5e: {  	_ =	shalt  }
0x5f: {  	_ =	shalt  }
0x60: {  	_ =	shalt  }
0x61: {  	_ =	shalt  }
0x62: {  	_ =	shalt  }
0x63: {  	_ =	shalt  }
0x64: {  	_ =	shalt  }
0x65: {  	_ =	shalt  }
0x66: {  	_ =	shalt  }
0x67: {  	_ =	shalt  }
0x68: {  	_ =	shalt  }
0x69: {  	_ =	shalt  }
0x6a: {  	_ =	shalt  }
0x6b: {  	_ =	shalt  }
0x6c: {  	_ =	shalt  }
0x6d: {  	_ =	shalt  }
0x6e: {  	_ =	shalt  }
0x6f: {  	_ =	shalt  }
0x70: {  	_ =	shalt  }
0x71: {  	_ =	shalt  }
0x72: {  	_ =	shalt  }
0x73: {  	_ =	shalt  }
0x74: {  	_ =	shalt  }
0x75: {  	_ =	shalt  }
0x76: {  	_ =	shalt  }
0x77: {  	_ =	shalt  }
0x78: {  	_ =	shalt  }
0x79: {  	_ =	shalt  }
0x7a: {  	_ =	shalt  }
0x7b: {  	_ =	shalt  }
0x7c: {  	_ =	shalt  }
0x7d: {  	_ =	shalt  }
0x7e: {  	_ =	shalt  }
0x7f: {  	_ =	shalt  }
0x80: {  	_ =	shalt  }
0x81: {  	_ =	shalt  }
0x82: {  	_ =	shalt  }
0x83: {  	_ =	shalt  }
0x84: {  	_ =	shalt  }
0x85: {  	_ =	shalt  }
0x86: {  	_ =	shalt  }
0x87: {  	_ =	shalt  }
.Lfunc_end0:
.L_simem_size_0:
called_computation_lowered:
.L_overlay_start_0:
0x88: {  	s2 =	sld [smem:$0x3FD9]  }
0x89: {  	s3 =	sld [smem:$0x3FFE];
	_ =	sdelay $0x1  }
0x8a: {  	s1 =	srdreg.scid  }
0x8b: {  	s0 =	sand.u32 $0x1, s1  }
0x8c: {  	s15 =	sshll.u32 s0, $0xA;
	s2 =	sadd.s32 s3, s2  }
0x8d: {  	s2 =	sadd.s32 s2, s15  }
0x8e: {  	[smem:$0x3FC7] =	sst s2  }
0x8f: {  	_ = 	snop  }
0x90: {  	s2 =	sld [smem:$0x3FD0];
	_ =	sdelay $0x2  }
0x91: {  	s4 =	simm.s32 $0xA;
	s5 =	simm.s32 $0x10;
	s16 =	sld [smem:$0x3FC9]  }
0x92: {  	[smem:s5], [sflag:s4] =	dma.local [hbm:s2], $0x1  }
0x93: {  	_ =	swait.eq [sflag:s4], $0x1  }
0x94: {  	[sflag:s4] =	ssyncset.done $0x0  }
0x95: {  	[sflag:s4] =	ssyncadd.s32 $0xFFFFFFFF  }
0x96: {  	s17 =	sld [smem:$0x11];
	(tm) =	ssettm $0x1  }
0x97: {  	s18 =	sld [smem:$0x3FFB];
	_ =	sdelay $0x3  }
0x98: {  	_ =	strace s18  }
0x99: {  	s4 =	sld [smem:$0x3FFC];
	_ =	sdelay $0x3  }
0x9a: {  	_ =	strace s4  }
0x9b: {  	s4 =	sld [smem:$0x3FFD];
	_ =	sdelay $0x3  }
0x9c: {  	_ =	strace s4  }
0x9d: {  	_ =	strace $0x8FFFFFFF  }
0x9e: {  	s19 =	sld [smem:$0x3FDB];
	_ =	sdelay $0x1  }
0x9f: {  	s20 =	simm.s32 $_scs_section_size  }
0xa0: {  	s6 =	simm.s32 $_size__tile_overlayer_lowered;
	s7 =	simm.s32 $_tile_overlayer_lowered  }
0xa1: {  	s23 =	simm.s32 $0x1BFF;
	s22 =	sshll.u32 s7, $0x1;
	s4 =	sadd.s32 s20, s19  }
0xa2: {  	s8 =	simm.s32 $0x0;
	s21 =	sshll.u32 s6, $0x1;
	s6 =	sadd.s32 s22, s4  }
0xa3: {  	[timem:s8], [sflag:s23] =	dma.local [hbm:s6], s21  }
0xa4: {  	_ =	swait.ge [sflag:s23], s21  }
0xa5: {  	s5 =	ssub.s32 $0x0, s21;
	[sflag:s23] =	ssyncset.done $0x0  }
0xa6: {  	[sflag:s23] =	ssyncadd.s32 s5;
	_ =	sdelay $0x1  }
0xa7: {  	s24 =	simm.s32 $0x1B8B  }
0xa8: {  	_ =	swait.ge [sflag:s24], $0x1  }
0xa9: {  	[sflag:s24] =	ssyncset.done $0x0  }
0xaa: {  	s25 =	simm.s32 $0x1B8E;
	[sflag:s24] =	ssyncadd.s32 $0xFFFFFFFF  }
0xab: {  	s26 =	simm.s32 $execute0_lowered;
	[smem:$0x3FD2] =	sst s25  }
0xac: {  	s5 =	sshll.u32 s26, $0x1;
	_ =	strace $0x80000046;
	[dreg:$0x1] =	wrdreg $0xFFFFFFFF  }
0xad: {  	s28 =	simm.s32 $_size_execute0_lowered;
	s4 =	sadd.s32 s4, s5;
	[dreg:$0x0] =	wrdreg $0x0  }
0xae: {  	s5 =	sshll.u32 s28, $0x1;
	[dreg:$0x2] =	wrdreg s4  }
0xaf: {  	[dreg:$0x3] =	wrdreg s5  }
0xb0: {  	[dreg:$0x4] =	wrdreg $0xC0  }
0xb1: {  	_ =	task [dreg:s8], $0x5FFFF  }
0xb2: {  	[dreg:$0x1] =	wrdreg $0xFFFFFFFF  }
0xb3: {  	[dreg:$0x0] =	wrdreg $0x60  }
0xb4: {  	[dreg:$0x2] =	wrdreg s16  }
0xb5: {  	[dreg:$0x3] =	wrdreg s17  }
0xb6: {  	[dreg:$0x4] =	wrdreg $0x9  }
0xb7: {  	_ =	task.clear_ibuf [dreg:s8], $0x5FFFF;
	_ =	strace $0x90000046  }
0xb8: {  	s29 =	simm.s32 $0x9;
	_ =	strace $0x80000048  }
0xb9: {  	_ =	swait.ge [sflag:s29], $0x1  }
0xba: {  	[sflag:s29] =	ssyncadd.s32 $0xFFFFFFFF  }
0xbb: {  	_ =	strace $0x90000048  }
0xbc: {  	_ =	sfence  }
0xbd: {  	s30 =	sld [smem:$0x0];
	_ =	sdelay $0x2  }
0xbe: {  	s31 =	sshll.u32 s1, $0xD;
	s1 =	sshrl.u32 s1, $0x2  }
0xbf: {  	s3 =	sand.u32 $0x4000, s31;
	s1 =	sadd.s32 s1, s30  }
0xc0: {  	s0 =	sor.u32 s3, s0;
	s1 =	sshll.u32 s1, $0x11  }
0xc1: {  	s0 =	sor.u32 s1, s0  }
0xc2: {  	s0 =	sadd.s32 $0x8F2B, s0  }
0xc3: {  	[sflag:s0] =	ssyncadd.remote.s32 $0x1  }
0xc4: {  	_ =	sfence.sel $0xFFFF  }
0xc5: {  	[dreg:$0x0] =	wrdreg $0xFFFFFFFF;
	(pc) =	sbr.abs _section_cstart, $3  }
0xc6: {  	[dreg:$0x1] =	wrdreg $0xFFFFFFFF  }
0xc7: {  	_ =	task.clear_ibuf [dreg:s8], $0x2FFFF;
	_ =	strace $0x9FFFFFFF  }
0xc8: {  	(tm) =	ssettm $0x7FFFFFFF  }
0xc9: {  	_ =	shalt  }
tec
execute0_lowered:
.L_overlay_start_1:
0x0: {  	(tag) =	ssettag $0x1  }
0x1: {  	s1 =	srdreg.scid  }
0x2: {  	s0 =	stileid.u32;
	s23 =	sand.u32 $0x1, s1  }
0x3: {  	s3 =	rddreg [dreg:$0x0];
	s4 =	sshll.u32 s0, $0x11;
	s5 =	sshll.u32 s23, $0x10  }
0x4: {  	s7 =	rddreg [dreg:$0x1];
	s2 =	simm.s32 $0x0;
	s8 =	sor.u32 s5, s4  }
0x5: {  	[smem:$0x7FF] =	sst s2;
	s21 =	sadd.s32 s8, s3  }
0x6: {  	s1 =	rddreg [dreg:$0x2];
	_ =	strace $0x80000047;
	s3 =	sadd.s32 $0x200000, s21  }
0x7: {  	[tilespmem:s2], [sflag:$0x1] =	stream.linear.gather [hbm4b:s3+s2], $0x10000, $0x38;
	v63 =	vld [tilespmem:$0x0]  }
0x8: {  	s6 =	simm.s32 $0x1;
	s5 =	simm.s32 $0x10000;
	s4 =	sadd.s32 $0x202000, s21  }
0x9: {  	[tilespmem:s5], [sflag:$0x2] =	stream.linear.gather [hbm4b:s4+s2], $0x10000, $0x38;
	v63 =	vld [tilespmem:$0x0]  }
0xa: {  	_ =	swait.ge [sflag:s6], $0x10000  }
0xb: {  	[sflag:s6] =	ssyncset.done $0x0  }
0xc: {  	s7 =	sadd.s32 s7, s8;
	[sflag:s6] =	ssyncadd.s32 $0xFFFF0000  }
0xd: {  	[hbm4b:s7+s2] =	stream.linear.scatter [tilespmem:s2], [sflag:$0x3], $0x10000, $0x38;
	v63 =	vld [tilespmem:$0x0]  }
0xe: {  	s9 =	simm.s32 $0x2;
	s8 =	sadd.s32 $0x204000, s21  }
0xf: {  	[tilespmem:s2], [sflag:$0x1] =	stream.linear.gather [hbm4b:s8+s2], $0x10000, $0x38;
	v63 =	vld [tilespmem:$0x0]  }
0x10: {  	_ =	swait.ge [sflag:s9], $0x10000  }
0x11: {  	[sflag:s9] =	ssyncset.done $0x0  }
0x12: {  	s10 =	sadd.s32 $0x2000, s7;
	[sflag:s9] =	ssyncadd.s32 $0xFFFF0000  }
0x13: {  	[hbm4b:s10+s2] =	stream.linear.scatter [tilespmem:s5], [sflag:$0x4], $0x10000, $0x38;
	v63 =	vld [tilespmem:$0x0]  }
0x14: {  	s11 =	sadd.s32 $0x206000, s21  }
0x15: {  	[tilespmem:s5], [sflag:$0x2] =	stream.linear.gather [hbm4b:s11+s2], $0x10000, $0x38;
	v63 =	vld [tilespmem:$0x0]  }
0x16: {  	_ =	swait.ge [sflag:s6], $0x10000  }
0x17: {  	[sflag:s6] =	ssyncset.done $0x0  }
0x18: {  	s12 =	simm.s32 $0x3;
	[sflag:s6] =	ssyncadd.s32 $0xFFFF0000  }
0x19: {  	_ =	swait.ge [sflag:s12], $0x10000  }
0x1a: {  	[sflag:s12] =	ssyncset.done $0x0  }
0x1b: {  	s13 =	sadd.s32 $0x4000, s7;
	[sflag:s12] =	ssyncadd.s32 $0xFFFF0000  }
0x1c: {  	[hbm4b:s13+s2] =	stream.linear.scatter [tilespmem:s2], [sflag:$0x3], $0x10000, $0x38;
	v63 =	vld [tilespmem:$0x0]  }
0x1d: {  	s14 =	sadd.s32 $0x208000, s21  }
0x1e: {  	[tilespmem:s2], [sflag:$0x1] =	stream.linear.gather [hbm4b:s14+s2], $0x10000, $0x38;
	v63 =	vld [tilespmem:$0x0]  }
0x1f: {  	_ =	swait.ge [sflag:s9], $0x10000  }
0x20: {  	[sflag:s9] =	ssyncset.done $0x0  }
0x21: {  	s15 =	simm.s32 $0x4;
	[sflag:s9] =	ssyncadd.s32 $0xFFFF0000  }
0x22: {  	_ =	swait.ge [sflag:s15], $0x10000  }
0x23: {  	[sflag:s15] =	ssyncset.done $0x0  }
0x24: {  	s16 =	sadd.s32 $0x6000, s7;
	[sflag:s15] =	ssyncadd.s32 $0xFFFF0000  }
0x25: {  	[hbm4b:s16+s2] =	stream.linear.scatter [tilespmem:s5], [sflag:$0x4], $0x10000, $0x38;
	v63 =	vld [tilespmem:$0x0]  }
0x26: {  	s17 =	sadd.s32 $0x20A000, s21  }
0x27: {  	[tilespmem:s5], [sflag:$0x2] =	stream.linear.gather [hbm4b:s17+s2], $0x10000, $0x38;
	v63 =	vld [tilespmem:$0x0]  }
0x28: {  	_ =	swait.ge [sflag:s6], $0x10000  }
0x29: {  	[sflag:s6] =	ssyncset.done $0x0  }
0x2a: {  	[sflag:s6] =	ssyncadd.s32 $0xFFFF0000  }
0x2b: {  	_ =	swait.ge [sflag:s12], $0x10000  }
0x2c: {  	[sflag:s12] =	ssyncset.done $0x0  }
0x2d: {  	s18 =	sadd.s32 $0x8000, s7;
	[sflag:s12] =	ssyncadd.s32 $0xFFFF0000  }
0x2e: {  	[hbm4b:s18+s2] =	stream.linear.scatter [tilespmem:s2], [sflag:$0x3], $0x10000, $0x38;
	v63 =	vld [tilespmem:$0x0]  }
0x2f: {  	s19 =	sadd.s32 $0x20C000, s21  }
0x30: {  	[tilespmem:s2], [sflag:$0x1] =	stream.linear.gather [hbm4b:s19+s2], $0x10000, $0x38;
	v63 =	vld [tilespmem:$0x0]  }
0x31: {  	_ =	swait.ge [sflag:s9], $0x10000  }
0x32: {  	[sflag:s9] =	ssyncset.done $0x0  }
0x33: {  	[sflag:s9] =	ssyncadd.s32 $0xFFFF0000  }
0x34: {  	_ =	swait.ge [sflag:s15], $0x10000  }
0x35: {  	[sflag:s15] =	ssyncset.done $0x0  }
0x36: {  	s20 =	sadd.s32 $0xA000, s7;
	[sflag:s15] =	ssyncadd.s32 $0xFFFF0000  }
0x37: {  	[hbm4b:s20+s2] =	stream.linear.scatter [tilespmem:s5], [sflag:$0x4], $0x10000, $0x38;
	v63 =	vld [tilespmem:$0x0]  }
0x38: {  	s21 =	sadd.s32 $0x20E000, s21  }
0x39: {  	[tilespmem:s5], [sflag:$0x2] =	stream.linear.gather [hbm4b:s21+s2], $0x10000, $0x38;
	v63 =	vld [tilespmem:$0x0]  }
0x3a: {  	_ =	swait.ge [sflag:s6], $0x10000  }
0x3b: {  	[sflag:s6] =	ssyncset.done $0x0  }
0x3c: {  	[sflag:s6] =	ssyncadd.s32 $0xFFFF0000  }
0x3d: {  	_ =	swait.ge [sflag:s12], $0x10000  }
0x3e: {  	[sflag:s12] =	ssyncset.done $0x0  }
0x3f: {  	s22 =	sadd.s32 $0xC000, s7;
	[sflag:s12] =	ssyncadd.s32 $0xFFFF0000  }
0x40: {  	[hbm4b:s22+s2] =	stream.linear.scatter [tilespmem:s2], [sflag:$0x3], $0x10000, $0x38;
	v63 =	vld [tilespmem:$0x0]  }
0x41: {  	_ =	swait.ge [sflag:s9], $0x10000  }
0x42: {  	s24 =	ssub.s32 $0x2, s23;
	[sflag:s9] =	ssyncset.done $0x0  }
0x43: {  	s25 =	sshrl.u32 s24, $0x1;
	[sflag:s9] =	ssyncadd.s32 $0xFFFF0000  }
0x44: {  	s24 =	ssub.s32 s24, s25;
	_ =	swait.ge [sflag:s15], $0x10000  }
0x45: {  	s24 =	smax.u32 s24, $0x1;
	[sflag:s15] =	ssyncset.done $0x0  }
0x46: {  	s23 =	sadd.s32 $0xE000, s7;
	p0 =	sne.s32 s24, $0x1;
	[sflag:s15] =	ssyncadd.s32 $0xFFFF0000  }
0x47: {  	[hbm4b:s23+s2] =	stream.linear.scatter [tilespmem:s5], [sflag:$0x4], $0x10000, $0x38;
	v63 =	vld [tilespmem:$0x0]  }
.Ltmp0:
0x48: {  	_ =	swait.ge [sflag:s12], $0x10000;
	(pc) =	sbr.rel @!p0 .LBB2_2-.Ltmp0, $4  }
0x49: {  	[sflag:s12] =	ssyncset.done $0x0  }
0x4a: {  	[sflag:s12] =	ssyncadd.s32 $0xFFFF0000  }
0x4b: {  	_ =	swait.ge [sflag:s15], $0x10000  }
0x4c: {  	s24 =	sadd.s32 $0xFFFFFFFF, s24;
	[sflag:s15] =	ssyncset.done $0x0  }
.LBB2_1:
0x4d: {  	p0 =	sne.s32 s24, $0x1;
	s24 =	sadd.s32 $0xFFFFFFFF, s24;
	[sflag:s15] =	ssyncadd.s32 $0xFFFF0000  }
0x4e: {  	[tilespmem:s2], [sflag:$0x1] =	stream.linear.gather [hbm4b:s3+s2], $0x10000, $0x38;
	v63 =	vld [tilespmem:$0x0]  }
0x4f: {  	_ = 	snop  }
0x50: {  	[tilespmem:s5], [sflag:$0x2] =	stream.linear.gather [hbm4b:s4+s2], $0x10000, $0x38;
	v63 =	vld [tilespmem:$0x0]  }
0x51: {  	_ =	swait.ge [sflag:s6], $0x10000  }
0x52: {  	[sflag:s6] =	ssyncset.done $0x0  }
0x53: {  	[sflag:s6] =	ssyncadd.s32 $0xFFFF0000  }
0x54: {  	[hbm4b:s7+s2] =	stream.linear.scatter [tilespmem:s2], [sflag:$0x3], $0x10000, $0x38;
	v63 =	vld [tilespmem:$0x0]  }
0x55: {  	_ = 	snop  }
0x56: {  	[tilespmem:s2], [sflag:$0x1] =	stream.linear.gather [hbm4b:s8+s2], $0x10000, $0x38;
	v63 =	vld [tilespmem:$0x0]  }
0x57: {  	_ =	swait.ge [sflag:s9], $0x10000  }
0x58: {  	[sflag:s9] =	ssyncset.done $0x0  }
0x59: {  	[sflag:s9] =	ssyncadd.s32 $0xFFFF0000  }
0x5a: {  	[hbm4b:s10+s2] =	stream.linear.scatter [tilespmem:s5], [sflag:$0x4], $0x10000, $0x38;
	v63 =	vld [tilespmem:$0x0]  }
0x5b: {  	_ = 	snop  }
0x5c: {  	[tilespmem:s5], [sflag:$0x2] =	stream.linear.gather [hbm4b:s11+s2], $0x10000, $0x38;
	v63 =	vld [tilespmem:$0x0]  }
0x5d: {  	_ =	swait.ge [sflag:s6], $0x10000  }
0x5e: {  	[sflag:s6] =	ssyncset.done $0x0  }
0x5f: {  	[sflag:s6] =	ssyncadd.s32 $0xFFFF0000  }
0x60: {  	_ =	swait.ge [sflag:s12], $0x10000  }
0x61: {  	[sflag:s12] =	ssyncset.done $0x0  }
0x62: {  	[sflag:s12] =	ssyncadd.s32 $0xFFFF0000  }
0x63: {  	[hbm4b:s13+s2] =	stream.linear.scatter [tilespmem:s2], [sflag:$0x3], $0x10000, $0x38;
	v63 =	vld [tilespmem:$0x0]  }
0x64: {  	_ = 	snop  }
0x65: {  	[tilespmem:s2], [sflag:$0x1] =	stream.linear.gather [hbm4b:s14+s2], $0x10000, $0x38;
	v63 =	vld [tilespmem:$0x0]  }
0x66: {  	_ =	swait.ge [sflag:s9], $0x10000  }
0x67: {  	[sflag:s9] =	ssyncset.done $0x0  }
0x68: {  	[sflag:s9] =	ssyncadd.s32 $0xFFFF0000  }
0x69: {  	_ =	swait.ge [sflag:s15], $0x10000  }
0x6a: {  	[sflag:s15] =	ssyncset.done $0x0  }
0x6b: {  	[sflag:s15] =	ssyncadd.s32 $0xFFFF0000  }
0x6c: {  	[hbm4b:s16+s2] =	stream.linear.scatter [tilespmem:s5], [sflag:$0x4], $0x10000, $0x38;
	v63 =	vld [tilespmem:$0x0]  }
0x6d: {  	_ = 	snop  }
0x6e: {  	[tilespmem:s5], [sflag:$0x2] =	stream.linear.gather [hbm4b:s17+s2], $0x10000, $0x38;
	v63 =	vld [tilespmem:$0x0]  }
0x6f: {  	_ =	swait.ge [sflag:s6], $0x10000  }
0x70: {  	[sflag:s6] =	ssyncset.done $0x0  }
0x71: {  	[sflag:s6] =	ssyncadd.s32 $0xFFFF0000  }
0x72: {  	_ =	swait.ge [sflag:s12], $0x10000  }
0x73: {  	[sflag:s12] =	ssyncset.done $0x0  }
0x74: {  	[sflag:s12] =	ssyncadd.s32 $0xFFFF0000  }
0x75: {  	[hbm4b:s18+s2] =	stream.linear.scatter [tilespmem:s2], [sflag:$0x3], $0x10000, $0x38;
	v63 =	vld [tilespmem:$0x0]  }
0x76: {  	_ = 	snop  }
0x77: {  	[tilespmem:s2], [sflag:$0x1] =	stream.linear.gather [hbm4b:s19+s2], $0x10000, $0x38;
	v63 =	vld [tilespmem:$0x0]  }
0x78: {  	_ =	swait.ge [sflag:s9], $0x10000  }
0x79: {  	[sflag:s9] =	ssyncset.done $0x0  }
0x7a: {  	[sflag:s9] =	ssyncadd.s32 $0xFFFF0000  }
0x7b: {  	_ =	swait.ge [sflag:s15], $0x10000  }
0x7c: {  	[sflag:s15] =	ssyncset.done $0x0  }
0x7d: {  	[sflag:s15] =	ssyncadd.s32 $0xFFFF0000  }
0x7e: {  	[hbm4b:s20+s2] =	stream.linear.scatter [tilespmem:s5], [sflag:$0x4], $0x10000, $0x38;
	v63 =	vld [tilespmem:$0x0]  }
0x7f: {  	_ = 	snop  }
0x80: {  	[tilespmem:s5], [sflag:$0x2] =	stream.linear.gather [hbm4b:s21+s2], $0x10000, $0x38;
	v63 =	vld [tilespmem:$0x0]  }
0x81: {  	_ =	swait.ge [sflag:s6], $0x10000  }
0x82: {  	[sflag:s6] =	ssyncset.done $0x0  }
0x83: {  	[sflag:s6] =	ssyncadd.s32 $0xFFFF0000  }
0x84: {  	_ =	swait.ge [sflag:s12], $0x10000  }
0x85: {  	[sflag:s12] =	ssyncset.done $0x0  }
0x86: {  	[sflag:s12] =	ssyncadd.s32 $0xFFFF0000  }
0x87: {  	[hbm4b:s22+s2] =	stream.linear.scatter [tilespmem:s2], [sflag:$0x3], $0x10000, $0x38;
	v63 =	vld [tilespmem:$0x0]  }
0x88: {  	_ =	swait.ge [sflag:s9], $0x10000  }
0x89: {  	[sflag:s9] =	ssyncset.done $0x0  }
0x8a: {  	[sflag:s9] =	ssyncadd.s32 $0xFFFF0000  }
0x8b: {  	_ =	swait.ge [sflag:s15], $0x10000  }
0x8c: {  	[sflag:s15] =	ssyncset.done $0x0  }
0x8d: {  	[sflag:s15] =	ssyncadd.s32 $0xFFFF0000  }
0x8e: {  	[hbm4b:s23+s2] =	stream.linear.scatter [tilespmem:s5], [sflag:$0x4], $0x10000, $0x38;
	v63 =	vld [tilespmem:$0x0]  }
.Ltmp1:
0x8f: {  	_ =	swait.ge [sflag:s12], $0x10000;
	(pc) =	sbr.rel @p0 .LBB2_1-.Ltmp1, $4  }
0x90: {  	[sflag:s12] =	ssyncset.done $0x0  }
0x91: {  	[sflag:s12] =	ssyncadd.s32 $0xFFFF0000  }
0x92: {  	_ =	swait.ge [sflag:s15], $0x10000  }
0x93: {  	[sflag:s15] =	ssyncset.done $0x0  }
.LBB2_2:
0x94: {  	[sflag:s15] =	ssyncadd.s32 $0xFFFF0000  }
0x95: {  	_ =	sfence.sel $0x180000  }
0x96: {  	[bflag:$0x0] =	sbarrier.arrive $0xFFFF  }
0x97: {  	p0 =	sne.s32 s0, $0x0;
	_ =	strace $0x90000047  }
0x98: {  	s0 =	sadd.s32 @!p0 $0x100000, s1;
	[bflag:$0x2] =	sbarrier.arrive $0xFFFF  }
0x99: {  	[sflag:s0] =	ssyncadd.tile.s32 @!p0 $0x1;
	_ =	shalt  }
.Lfunc_end2:
_tile_overlayer_lowered:
.L_overlay_start_2:
0x9a: {  	(tag) =	ssettag $0x2  }
0x9b: {  	s0 =	rddreg [dreg:$0x0];
	s2 =	stileid.u32  }
0x9c: {  	s1 =	rddreg [dreg:$0x1];
	p0 =	sne.s32 s2, $0x0  }
0x9d: {  	s3 =	rddreg [dreg:$0x2];
	[bflag:$0x3] =	sbarrier.arrive $0xFFFF;
	s2 =	simm.s32 @!p0 $0x1C05  }
0x9e: {  	[timem:s3], [sflag:s2] =	dma.local @!p0 [hbm:s0], s1  }
0x9f: {  	s0 =	simm.s32 @!p0 $0x5  }
0xa0: {  	_ =	swait.ge @!p0 [sflag:s0], s1  }
0xa1: {  	s1 =	ssub.s32 @!p0 $0x0, s1;
	[sflag:s0] =	ssyncset.done @!p0 $0x0  }
0xa2: {  	[sflag:s0] =	ssyncadd.s32 @!p0 s1  }
0xa3: {  	[bflag:$0x3] =	sbarrier.arrive $0xFFFF  }
0xa4: {  	_ =	shalt  }

</sc_bundles>
